<compile_context>
chip_gen: v7x
topology: tpu7x:2x2x1
jax: 0.10.2.dev20260603
libtpu: 0.0.44.dev20260713+nightly
codegen_flags: <defaults>
</compile_context>

<pallas_src>
import functools

import jax
import jax.numpy as jnp
from jax.experimental import pallas as pl
from jax.experimental.pallas import tpu as pltpu
from jax.experimental.pallas import tpu_sc as plsc

N = 100000
B = 1024
D = 128
H = 128

K1_BLK = 10000
K4_BLK = 4000
K1_STEPS = N // K1_BLK
K4_STEPS = N // K4_BLK


def _stats_kernel(feat_ref, out_ref):
    i = pl.program_id(0)

    @pl.when(i == 0)
    def _():
        out_ref[...] = jnp.zeros_like(out_ref)

    f = feat_ref[...]
    s = jnp.sum(f, axis=0)
    q = jnp.sum(f * f, axis=0)
    upd = jnp.concatenate(
        [s[None, :], q[None, :], jnp.zeros((6, D), dtype=jnp.float32)], axis=0)
    out_ref[...] += upd


_SC_INFO = plsc.get_sparse_core_info()
_NW = _SC_INFO.num_cores * _SC_INFO.num_subcores
_BPW = B // _NW

_sc_mesh = plsc.VectorSubcoreMesh(core_axis_name="c", subcore_axis_name="s")


@functools.partial(
    pl.kernel, mesh=_sc_mesh,
    out_type=jax.ShapeDtypeStruct((B, D), jnp.float32),
    scratch_types=[pltpu.VMEM((_BPW,), jnp.int32),
                   pltpu.VMEM((_BPW, D), jnp.float32),
                   pltpu.SemaphoreType.DMA],
)
def _sc_gather(table_hbm, idx_hbm, out_hbm, idx_v, rows_v, sem):
    wid = jax.lax.axis_index("s") * _SC_INFO.num_cores + jax.lax.axis_index("c")
    base = wid * _BPW
    pltpu.sync_copy(idx_hbm.at[pl.ds(base, _BPW)], idx_v)
    pltpu.async_copy(table_hbm.at[idx_v], rows_v, sem).wait()
    pltpu.sync_copy(rows_v, out_hbm.at[pl.ds(base, _BPW)])


def _prep_kernel(stats_ref, gath_ref, intend_ref, wu_ref, wv_ref, wi_ref,
                 bv_ref, bi_ref, gamma_ref, beta_ref, we_ref,
                 cvec_ref, wu2_ref, params_ref):
    stats = stats_ref[...]
    mean = stats[0:1, :] / N
    ex2 = stats[1:2, :] / N
    var = ex2 - mean * mean
    g = gamma_ref[...] * jax.lax.rsqrt(var + 1e-5)
    boff = beta_ref[...] - mean * g

    wu = wu_ref[...]
    wu2 = wu * g
    bu2 = jax.lax.dot_general(boff, wu, (((1,), (1,)), ((), ())),
                              preferred_element_type=jnp.float32)

    wi2 = wi_ref[...] * g
    bi2 = bi_ref[...] + jax.lax.dot_general(boff, wi_ref[...],
                                            (((1,), (1,)), ((), ())),
                                            preferred_element_type=jnp.float32)

    cvec = (jax.lax.dot_general(gath_ref[...], wi2, (((1,), (1,)), ((), ())),
                                preferred_element_type=jnp.float32)
            + jax.lax.dot_general(intend_ref[...], wv_ref[...],
                                  (((1,), (1,)), ((), ())),
                                  preferred_element_type=jnp.float32)
            + bv_ref[...] + bi2)

    cvec_ref[...] = cvec.astype(jnp.bfloat16)
    wu2_ref[...] = wu2.astype(jnp.bfloat16)
    params_ref[...] = jnp.concatenate(
        [bu2, g, boff, we_ref[...],
         jnp.zeros((4, 128), dtype=jnp.float32)], axis=0)


def _main_kernel(feat_ref, ids_ref, cvec_ref, wu2_ref, params_ref, we_ref,
                 acc_ref):
    i = pl.program_id(0)

    @pl.when(i == 0)
    def _():
        acc_ref[...] = jnp.zeros_like(acc_ref)

    f = feat_ref[...]
    u = jax.lax.dot_general(f.astype(jnp.bfloat16), wu2_ref[...],
                            (((1,), (1,)), ((), ())),
                            preferred_element_type=jnp.float32)
    u = u + params_ref[0:1, :]

    ids = ids_ref[0, 0, :]
    mask = (ids[:, None] ==
            jax.lax.broadcasted_iota(jnp.int32, (K4_BLK, B), 1))
    onehot = mask.astype(jnp.bfloat16)
    cmat = jnp.dot(onehot, cvec_ref[...],
                   preferred_element_type=jnp.float32)

    s = jax.nn.sigmoid(u + cmat)
    e = jnp.dot(s, we_ref[...], preferred_element_type=jnp.float32)
    w = jnp.exp(e)

    aug = jnp.concatenate(
        [f * w, w, jnp.zeros((K4_BLK, 127), jnp.float32)],
        axis=1).astype(jnp.bfloat16)
    acc_ref[...] += jax.lax.dot_general(onehot, aug,
                                        (((0,), (0,)), ((), ())),
                                        preferred_element_type=jnp.float32)

    @pl.when(i == K4_STEPS - 1)
    def _():
        acc = acc_ref[...]
        den = acc[:, D:D + 1]
        g = params_ref[1:2, :]
        boff = params_ref[2:3, :]
        safe = jnp.where(den > 0, den, 1.0)
        final = jnp.where(den > 0,
                          acc[:, 0:D] / safe * g + boff,
                          0.0)
        acc_ref[...] = jnp.concatenate([final, acc[:, D:]], axis=1)


@jax.jit
def kernel(feat, intend, last_nodes, segment_ids, bn_gamma, bn_beta,
           W_u, W_v, b_v, W_i, b_i, W_e):
    feat = feat.astype(jnp.float32)

    stats = pl.pallas_call(
        _stats_kernel,
        grid=(K1_STEPS,),
        in_specs=[pl.BlockSpec((K1_BLK, D), lambda i: (i, 0))],
        out_specs=pl.BlockSpec((8, D), lambda i: (0, 0)),
        out_shape=jax.ShapeDtypeStruct((8, D), jnp.float32),
    )(feat)

    gath = _sc_gather(feat, last_nodes.astype(jnp.int32))

    cvec, wu2, params = pl.pallas_call(
        _prep_kernel,
        in_specs=[pl.BlockSpec((8, D), lambda: (0, 0)),
                  pl.BlockSpec((B, D), lambda: (0, 0)),
                  pl.BlockSpec((B, D), lambda: (0, 0)),
                  pl.BlockSpec((H, D), lambda: (0, 0)),
                  pl.BlockSpec((H, D), lambda: (0, 0)),
                  pl.BlockSpec((H, D), lambda: (0, 0)),
                  pl.BlockSpec((1, H), lambda: (0, 0)),
                  pl.BlockSpec((1, H), lambda: (0, 0)),
                  pl.BlockSpec((1, D), lambda: (0, 0)),
                  pl.BlockSpec((1, D), lambda: (0, 0)),
                  pl.BlockSpec((1, H), lambda: (0, 0))],
        out_specs=[pl.BlockSpec((B, H), lambda: (0, 0)),
                   pl.BlockSpec((H, D), lambda: (0, 0)),
                   pl.BlockSpec((8, 128), lambda: (0, 0))],
        out_shape=[jax.ShapeDtypeStruct((B, H), jnp.bfloat16),
                   jax.ShapeDtypeStruct((H, D), jnp.bfloat16),
                   jax.ShapeDtypeStruct((8, 128), jnp.float32)],
    )(stats, gath, intend.astype(jnp.float32),
      W_u.astype(jnp.float32), W_v.astype(jnp.float32),
      W_i.astype(jnp.float32),
      b_v.reshape(1, H).astype(jnp.float32),
      b_i.reshape(1, H).astype(jnp.float32),
      bn_gamma.reshape(1, D).astype(jnp.float32),
      bn_beta.reshape(1, D).astype(jnp.float32),
      W_e.reshape(1, H).astype(jnp.float32))

    ids3 = segment_ids.astype(jnp.int32).reshape(K4_STEPS, 1, K4_BLK)
    acc = pl.pallas_call(
        _main_kernel,
        grid=(K4_STEPS,),
        in_specs=[pl.BlockSpec((K4_BLK, D), lambda i: (i, 0)),
                  pl.BlockSpec((1, 1, K4_BLK), lambda i: (i, 0, 0)),
                  pl.BlockSpec((B, H), lambda i: (0, 0)),
                  pl.BlockSpec((H, D), lambda i: (0, 0)),
                  pl.BlockSpec((8, 128), lambda i: (0, 0)),
                  pl.BlockSpec((H, 1), lambda i: (0, 0))],
        out_specs=pl.BlockSpec((B, 256), lambda i: (0, 0)),
        out_shape=jax.ShapeDtypeStruct((B, 256), jnp.float32),
    )(feat, ids3, cvec, wu2, params,
      W_e.reshape(H, 1).astype(jnp.float32))

    return acc[:, 0:D]

# --- scband reference (transcript-rebuilt; emitter-appended) ---
"""Pipeline reference for scband-attn-readout-86440511799492 (READ-ONLY COPY).

The authoritative reference and input builder live on the scoring server;
editing this copy changes nothing except your own understanding.
"""

import jax, jax.numpy as jnp
import numpy as np

N = 100000
B = 1024
D = 128
H = 128

def setup_inputs(seed: int = 0) -> dict:
    key = jax.random.key(seed)
    ks = jax.random.split(key, 10)
    feat = jax.random.normal(ks[0], (N, D), dtype=jnp.float32)
    intend = jax.random.normal(ks[1], (B, D), dtype=jnp.float32)
    last_nodes = jax.random.randint(ks[2], (B,), 0, N)
    segment_ids = jnp.sort(jax.random.randint(ks[3], (N,), 0, B))
    bn_gamma = jnp.ones((D,), dtype=jnp.float32)
    bn_beta = jnp.zeros((D,), dtype=jnp.float32)
    W_u = jax.random.normal(ks[4], (H, D), dtype=jnp.float32) * 0.05
    W_v = jax.random.normal(ks[5], (H, D), dtype=jnp.float32) * 0.05
    b_v = jnp.zeros((H,), dtype=jnp.float32)
    W_i = jax.random.normal(ks[6], (H, D), dtype=jnp.float32) * 0.05
    b_i = jnp.zeros((H,), dtype=jnp.float32)
    W_e = jax.random.normal(ks[7], (1, H), dtype=jnp.float32) * 0.05
    return {"feat": feat, "intend": intend, "last_nodes": last_nodes,
            "segment_ids": segment_ids, "bn_gamma": bn_gamma, "bn_beta": bn_beta,
            "W_u": W_u, "W_v": W_v, "b_v": b_v, "W_i": W_i, "b_i": b_i, "W_e": W_e}

def reference(feat, intend, last_nodes, segment_ids, bn_gamma, bn_beta, W_u, W_v, b_v, W_i, b_i, W_e):
    # BatchNorm1d (training mode, biased variance), feat_drop=0 -> identity
    mean = jnp.mean(feat, axis=0)
    var = jnp.var(feat, axis=0)
    feat = (feat - mean) / jnp.sqrt(var + 1e-5) * bn_gamma + bn_beta
    feat_u = feat @ W_u.T                                  # [N, H]
    last_node_emb = feat[last_nodes] @ W_i.T + b_i          # [B, H]
    last_b = last_node_emb[segment_ids]                     # broadcast_nodes -> [N, H]
    feat_v = intend @ W_v.T + b_v                           # [B, H]
    feat_vb = feat_v[segment_ids]                           # broadcast_nodes -> [N, H]
    e = jax.nn.sigmoid(feat_u + feat_vb + last_b) @ W_e.T   # [N, 1]
    # segment softmax over graphs
    m = jax.lax.stop_gradient(jax.ops.segment_max(e, segment_ids, num_segments=B))
    e_exp = jnp.exp(e - m[segment_ids])
    denom = jax.ops.segment_sum(e_exp, segment_ids, num_segments=B)
    alpha = e_exp / denom[segment_ids]                      # [N, 1]
    feat_norm = feat * alpha                                # [N, D]
    rst = jax.ops.segment_sum(feat_norm, segment_ids, num_segments=B)  # [B, D]
    # output_dim == input_dim -> fc_out is None; activation is None
    return rst

if __name__ == "__main__":
    import jax
    _d = setup_inputs()
    print(jax.jit(kernel)(*tuple(_d.values())))

</pallas_src>

<mosaic_0001>
#map = affine_map<(d0, d1) -> (0, 0)>
#map1 = affine_map<(d0, d1) -> (0)>
module attributes {stable_mosaic.version = 14 : i64} {
  func.func @_sc_gather(%arg0: i32, %arg1: i32, %arg2: memref<100000x128xf32, #tpu.memory_space<hbm>>, %arg3: memref<1024xi32, #tpu.memory_space<hbm>>, %arg4: memref<1024x128xf32, #tpu.memory_space<hbm>>, %arg5: memref<32xi32, #tpu.memory_space<vmem>>, %arg6: memref<32x128xf32, #tpu.memory_space<vmem>>, %arg7: memref<!tpu.dma_semaphore, #tpu.memory_space<semaphore_mem>>) attributes {dimension_semantics = [#tpu.dimension_semantics<core_parallel>, #tpu.dimension_semantics<subcore_parallel>], iteration_bounds = array<i64: 2, 16>, scalar_prefetch = 0 : i64, scratch_operands = 3 : i64, tpu.core_type = #tpu.core_type<sc_vector_subcore>, window_params = [{transform_indices = #map}, {transform_indices = #map1}, {transform_indices = #map}]} {
    %mul3A = arith.constant 2 : i32
    %mul3A_0 = arith.muli %arg1, %mul3A : i32
    %add3A = arith.addi %mul3A_0, %arg0 : i32
    %mul3A_1 = arith.constant 32 : i32
    %mul3A_2 = arith.muli %add3A, %mul3A_1 : i32
    "tpu.region"() ({
      %run_scoped3A = tpu.sem_alloc : memref<!tpu.dma_semaphore, #tpu.memory_space<semaphore_mem>>
      %dma_start3A_7 = tpu.memref_slice %arg3[%mul3A_2] : memref<1024xi32, #tpu.memory_space<hbm>> -> memref<32xi32, #tpu.memory_space<hbm>>
      %dma_start3A_8 = tpu.memref_slice %arg3[%mul3A_2] : memref<1024xi32, #tpu.memory_space<hbm>> -> memref<32xi32, #tpu.memory_space<hbm>>
      tpu.enqueue_dma source(%dma_start3A_8 : memref<32xi32, #tpu.memory_space<hbm>>) target(%arg5 : memref<32xi32, #tpu.memory_space<vmem>>) target_semaphore(%run_scoped3A : memref<!tpu.dma_semaphore, #tpu.memory_space<semaphore_mem>>)
      %dma_wait3A_9 = tpu.memref_slice %arg3[%mul3A_2] : memref<1024xi32, #tpu.memory_space<hbm>> -> memref<32xi32, #tpu.memory_space<hbm>>
      %dma_wait3A_10 = tpu.memref_slice %arg3[%mul3A_2] : memref<1024xi32, #tpu.memory_space<hbm>> -> memref<32xi32, #tpu.memory_space<hbm>>
      tpu.wait_dma2 semaphore(%run_scoped3A : memref<!tpu.dma_semaphore, #tpu.memory_space<semaphore_mem>>) src(%dma_wait3A_10 : memref<32xi32, #tpu.memory_space<hbm>>) dst(%arg5 : memref<32xi32, #tpu.memory_space<vmem>>)
      tpu.yield
    }) : () -> ()
    %dma_start3A = arith.constant 0 : i32
    %dma_start3A_3 = arith.constant 0 : i32
    %dma_start3A_4 = tpu.memref_slice %arg2[%dma_start3A, %dma_start3A_3] : memref<100000x128xf32, #tpu.memory_space<hbm>> -> memref<100000x128xf32, #tpu.memory_space<hbm>>
    tpu.enqueue_indirect_dma source(%dma_start3A_4 : memref<100000x128xf32, #tpu.memory_space<hbm>>) target(%arg6 : memref<32x128xf32, #tpu.memory_space<vmem>>) offsets(%arg5 : memref<32xi32, #tpu.memory_space<vmem>>) semaphore(%arg7 : memref<!tpu.dma_semaphore, #tpu.memory_space<semaphore_mem>>)
    %dma_wait3A = arith.constant 0 : i32
    %dma_wait3A_5 = arith.constant 0 : i32
    %dma_wait3A_6 = tpu.memref_slice %arg2[%dma_wait3A, %dma_wait3A_5] : memref<100000x128xf32, #tpu.memory_space<hbm>> -> memref<100000x128xf32, #tpu.memory_space<hbm>>
    tpu.wait_indirect_dma semaphore(%arg7 : memref<!tpu.dma_semaphore, #tpu.memory_space<semaphore_mem>>) src(%dma_wait3A_6 : memref<100000x128xf32, #tpu.memory_space<hbm>>) dst(%arg6 : memref<32x128xf32, #tpu.memory_space<vmem>>)
    "tpu.region"() ({
      %run_scoped3A = tpu.sem_alloc : memref<!tpu.dma_semaphore, #tpu.memory_space<semaphore_mem>>
      %dma_start3A_7 = arith.constant 0 : i32
      %dma_start3A_8 = tpu.memref_slice %arg4[%mul3A_2, %dma_start3A_7] : memref<1024x128xf32, #tpu.memory_space<hbm>> -> memref<32x128xf32, #tpu.memory_space<hbm>>
      %dma_start3A_9 = arith.constant 0 : i32
      %dma_start3A_10 = tpu.memref_slice %arg4[%mul3A_2, %dma_start3A_9] : memref<1024x128xf32, #tpu.memory_space<hbm>> -> memref<32x128xf32, #tpu.memory_space<hbm>>
      tpu.enqueue_dma source(%arg6 : memref<32x128xf32, #tpu.memory_space<vmem>>) target(%dma_start3A_10 : memref<32x128xf32, #tpu.memory_space<hbm>>) target_semaphore(%run_scoped3A : memref<!tpu.dma_semaphore, #tpu.memory_space<semaphore_mem>>)
      %dma_wait3A_11 = arith.constant 0 : i32
      %dma_wait3A_12 = tpu.memref_slice %arg4[%mul3A_2, %dma_wait3A_11] : memref<1024x128xf32, #tpu.memory_space<hbm>> -> memref<32x128xf32, #tpu.memory_space<hbm>>
      %dma_wait3A_13 = arith.constant 0 : i32
      %dma_wait3A_14 = tpu.memref_slice %arg4[%mul3A_2, %dma_wait3A_13] : memref<1024x128xf32, #tpu.memory_space<hbm>> -> memref<32x128xf32, #tpu.memory_space<hbm>>
      tpu.wait_dma2 semaphore(%run_scoped3A : memref<!tpu.dma_semaphore, #tpu.memory_space<semaphore_mem>>) src(%arg6 : memref<32x128xf32, #tpu.memory_space<vmem>>) dst(%dma_wait3A_14 : memref<32x128xf32, #tpu.memory_space<hbm>>)
      tpu.yield
    }) : () -> ()
    return
  }
}

module attributes {stable_mosaic.version = 14 : i64} {
  func.func @_stats_kernel(%arg0: i32, %arg1: memref<10000x128xf32, #tpu.memory_space<vmem>>, %arg2: memref<8x128xf32, #tpu.memory_space<vmem>>) attributes {dimension_semantics = [#tpu.dimension_semantics<arbitrary>], iteration_bounds = array<i64: 10>, scalar_prefetch = 0 : i64, scratch_operands = 0 : i64, tpu.core_type = #tpu.core_type<tc>, window_params = [{transform_indices = @transform_0, window_bounds = array<i64: 10000, 128>}, {pipeline_mode = #tpu.pipeline_mode<synchronous>, transform_indices = @transform_1, window_bounds = array<i64: 8, 128>}]} {
    %eq3A = arith.constant 0 : i32
    %eq3A_0 = arith.cmpi eq, %arg0, %eq3A : i32
    %convert_element_type3A = arith.extui %eq3A_0 : i1 to i32
    %cond3A = arith.constant 0 : i32
    %cond3A_1 = arith.cmpi ne, %convert_element_type3A, %cond3A : i32
    scf.if %cond3A_1 {
      %broadcast_in_dim3A_15 = arith.constant 0.000000e+00 : f32
      %broadcast_in_dim3A_16 = vector.broadcast %broadcast_in_dim3A_15 : f32 to vector<8x128xf32>
      %swap3A_17 = arith.constant 0 : index
      %swap3A_18 = arith.constant 0 : index
      %swap3A_19 = vector.load %arg2[%swap3A_17, %swap3A_18] : memref<8x128xf32, #tpu.memory_space<vmem>>, vector<8x128xf32>
      tpu.vector_store %arg2[%swap3A_17, %swap3A_18], %broadcast_in_dim3A_16 {strides = array<i32>} : memref<8x128xf32, #tpu.memory_space<vmem>>, vector<8x128xf32>,
    } else {
    }
    %get3A = arith.constant 0 : index
    %get3A_2 = arith.constant 0 : index
    %get3A_3 = vector.load %arg1[%get3A, %get3A_2] : memref<10000x128xf32, #tpu.memory_space<vmem>>, vector<10000x128xf32>
    %reduce_sum3A = arith.constant dense<0.000000e+00> : vector<128xf32>
    %reduce_sum3A_4 = vector.multi_reduction <add>, %get3A_3, %reduce_sum3A [0] : vector<10000x128xf32> to vector<128xf32>
    %mul3A = arith.mulf %get3A_3, %get3A_3 : vector<10000x128xf32>
    %reduce_sum3A_5 = arith.constant dense<0.000000e+00> : vector<128xf32>
    %reduce_sum3A_6 = vector.multi_reduction <add>, %mul3A, %reduce_sum3A_5 [0] : vector<10000x128xf32> to vector<128xf32>
    %broadcast_in_dim3A = vector.shape_cast %reduce_sum3A_4 : vector<128xf32> to vector<1x128xf32>
    %broadcast_in_dim3A_7 = vector.shape_cast %reduce_sum3A_6 : vector<128xf32> to vector<1x128xf32>
    %broadcast_in_dim3A_8 = arith.constant 0.000000e+00 : f32
    %broadcast_in_dim3A_9 = vector.broadcast %broadcast_in_dim3A_8 : f32 to vector<6x128xf32>
    %concatenate3A = tpu.concatenate %broadcast_in_dim3A, %broadcast_in_dim3A_7, %broadcast_in_dim3A_9 in 0 : vector<1x128xf32>, vector<1x128xf32>, vector<6x128xf32> -> vector<8x128xf32>
    %get3A_10 = arith.constant 0 : index
    %get3A_11 = arith.constant 0 : index
    %get3A_12 = vector.load %arg2[%get3A_10, %get3A_11] : memref<8x128xf32, #tpu.memory_space<vmem>>, vector<8x128xf32>
    %add3A = arith.addf %get3A_12, %concatenate3A : vector<8x128xf32>
    %swap3A = arith.constant 0 : index
    %swap3A_13 = arith.constant 0 : index
    %swap3A_14 = vector.load %arg2[%swap3A, %swap3A_13] : memref<8x128xf32, #tpu.memory_space<vmem>>, vector<8x128xf32>
    tpu.vector_store %arg2[%swap3A, %swap3A_13], %add3A {strides = array<i32>} : memref<8x128xf32, #tpu.memory_space<vmem>>, vector<8x128xf32>,
    return
  }
  func.func @transform_0(%arg0: i32) -> (i32, i32) {
    %c0_i32 = arith.constant 0 : i32
    %c0_i32_0 = arith.constant 0 : i32
    return %arg0, %c0_i32 : i32, i32
  }
  func.func @transform_1(%arg0: i32) -> (i32, i32) {
    %c0_i32 = arith.constant 0 : i32
    %c0_i32_0 = arith.constant 0 : i32
    %c0_i32_1 = arith.constant 0 : i32
    return %c0_i32, %c0_i32_0 : i32, i32
  }
}

module attributes {stable_mosaic.version = 14 : i64} {
  func.func @_main_kernel(%arg0: i32, %arg1: memref<4000x128xf32, #tpu.memory_space<vmem>>, %arg2: memref<1x1x4000xi32, #tpu.memory_space<vmem>>, %arg3: memref<1024x128xbf16, #tpu.memory_space<vmem>>, %arg4: memref<128x128xbf16, #tpu.memory_space<vmem>>, %arg5: memref<8x128xf32, #tpu.memory_space<vmem>>, %arg6: memref<128x1xf32, #tpu.memory_space<vmem>>, %arg7: memref<1024x256xf32, #tpu.memory_space<vmem>>) attributes {dimension_semantics = [#tpu.dimension_semantics<arbitrary>], iteration_bounds = array<i64: 25>, scalar_prefetch = 0 : i64, scratch_operands = 0 : i64, tpu.core_type = #tpu.core_type<tc>, window_params = [{transform_indices = @transform_0, window_bounds = array<i64: 4000, 128>}, {transform_indices = @transform_1, window_bounds = array<i64: 1, 1, 4000>}, {pipeline_mode = #tpu.pipeline_mode<synchronous>, transform_indices = @transform_2, window_bounds = array<i64: 1024, 128>}, {pipeline_mode = #tpu.pipeline_mode<synchronous>, transform_indices = @transform_3, window_bounds = array<i64: 128, 128>}, {pipeline_mode = #tpu.pipeline_mode<synchronous>, transform_indices = @transform_4, window_bounds = array<i64: 8, 128>}, {pipeline_mode = #tpu.pipeline_mode<synchronous>, transform_indices = @transform_5, window_bounds = array<i64: 128, 1>}, {pipeline_mode = #tpu.pipeline_mode<synchronous>, transform_indices = @transform_6, window_bounds = array<i64: 1024, 256>}]} {
    %eq3A = arith.constant 0 : i32
    %eq3A_0 = arith.cmpi eq, %arg0, %eq3A : i32
    %convert_element_type3A = arith.extui %eq3A_0 : i1 to i32
    %cond3A = arith.constant 0 : i32
    %cond3A_1 = arith.cmpi ne, %convert_element_type3A, %cond3A : i32
    scf.if %cond3A_1 {
      %broadcast_in_dim3A_56 = arith.constant 0.000000e+00 : f32
      %broadcast_in_dim3A_57 = vector.broadcast %broadcast_in_dim3A_56 : f32 to vector<1024x256xf32>
      %swap3A_58 = arith.constant 0 : index
      %swap3A_59 = arith.constant 0 : index
      %swap3A_60 = vector.load %arg7[%swap3A_58, %swap3A_59] : memref<1024x256xf32, #tpu.memory_space<vmem>>, vector<1024x256xf32>
      tpu.vector_store %arg7[%swap3A_58, %swap3A_59], %broadcast_in_dim3A_57 {strides = array<i32>} : memref<1024x256xf32, #tpu.memory_space<vmem>>, vector<1024x256xf32>,
    } else {
    }
    %get3A = arith.constant 0 : index
    %get3A_2 = arith.constant 0 : index
    %get3A_3 = vector.load %arg1[%get3A, %get3A_2] : memref<4000x128xf32, #tpu.memory_space<vmem>>, vector<4000x128xf32>
    %convert_element_type3A_4 = arith.truncf %get3A_3 : vector<4000x128xf32> to vector<4000x128xbf16>
    %get3A_5 = arith.constant 0 : index
    %get3A_6 = arith.constant 0 : index
    %get3A_7 = vector.load %arg4[%get3A_5, %get3A_6] : memref<128x128xbf16, #tpu.memory_space<vmem>>, vector<128x128xbf16>
    %dot_general3A = arith.constant dense<0.000000e+00> : vector<4000x128xf32>
    %dot_general3A_8 = tpu.matmul %convert_element_type3A_4, %get3A_7, %dot_general3A {dimension_numbers = #tpu.dot_dimension_numbers<[1], [1], [0], [0], [0, 0, 1, 0], [], []>, transpose_lhs_hint = false} : vector<4000x128xbf16>, vector<128x128xbf16>, vector<4000x128xf32> -> vector<4000x128xf32>
    %get3A_9 = arith.constant 0 : index
    %get3A_10 = arith.constant 0 : index
    %get3A_11 = vector.load %arg5[%get3A_9, %get3A_10] : memref<8x128xf32, #tpu.memory_space<vmem>>, vector<1x128xf32>
    %add3A = vector.broadcast %get3A_11 : vector<1x128xf32> to vector<4000x128xf32>
    %add3A_12 = arith.addf %dot_general3A_8, %add3A : vector<4000x128xf32>
    %get3A_13 = arith.constant 0 : index
    %get3A_14 = arith.constant 0 : index
    %get3A_15 = arith.constant 0 : index
    %get3A_16 = vector.load %arg2[%get3A_13, %get3A_14, %get3A_15] : memref<1x1x4000xi32, #tpu.memory_space<vmem>>, vector<1x1x4000xi32>
    %get3A_17 = vector.shape_cast %get3A_16 : vector<1x1x4000xi32> to vector<4000xi32>
    %broadcast_in_dim3A = vector.shape_cast %get3A_17 : vector<4000xi32> to vector<4000x1xi32>
    %iota3A = tpu.iota {dimensions = array<i32: 1>} : vector<4000x1024xi32>
    %eq3A_18 = vector.broadcast %broadcast_in_dim3A : vector<4000x1xi32> to vector<4000x1024xi32>
    %eq3A_19 = arith.cmpi eq, %eq3A_18, %iota3A : vector<4000x1024xi32>
    %convert_element_type3A_20 = arith.extui %eq3A_19 : vector<4000x1024xi1> to vector<4000x1024xi32>
    %convert_element_type3A_21 = arith.sitofp %convert_element_type3A_20 : vector<4000x1024xi32> to vector<4000x1024xf32>
    %convert_element_type3A_22 = arith.truncf %convert_element_type3A_21 : vector<4000x1024xf32> to vector<4000x1024xbf16>
    %get3A_23 = arith.constant 0 : index
    %get3A_24 = arith.constant 0 : index
    %get3A_25 = vector.load %arg3[%get3A_23, %get3A_24] : memref<1024x128xbf16, #tpu.memory_space<vmem>>, vector<1024x128xbf16>
    %dot_general3A_26 = arith.constant dense<0.000000e+00> : vector<4000x128xf32>
    %dot_general3A_27 = tpu.matmul %convert_element_type3A_22, %get3A_25, %dot_general3A_26 {dimension_numbers = #tpu.dot_dimension_numbers<[1], [0], [0], [1], [0, 0, 1, 1], [], []>, transpose_lhs_hint = false} : vector<4000x1024xbf16>, vector<1024x128xbf16>, vector<4000x128xf32> -> vector<4000x128xf32>
    %add3A_28 = arith.addf %add3A_12, %dot_general3A_27 : vector<4000x128xf32>
    %logistic3A = arith.negf %add3A_28 : vector<4000x128xf32>
    %logistic3A_29 = math.exp %logistic3A : vector<4000x128xf32>
    %logistic3A_30 = arith.constant 1.000000e+00 : f32
    %logistic3A_31 = vector.broadcast %logistic3A_30 : f32 to vector<4000x128xf32>
    %logistic3A_32 = arith.addf %logistic3A_31, %logistic3A_29 : vector<4000x128xf32>
    %logistic3A_33 = arith.divf %logistic3A_31, %logistic3A_32 : vector<4000x128xf32>
    %get3A_34 = arith.constant 0 : index
    %get3A_35 = arith.constant 0 : index
    %get3A_36 = vector.load %arg6[%get3A_34, %get3A_35] : memref<128x1xf32, #tpu.memory_space<vmem>>, vector<128x1xf32>
    %dot_general3A_37 = arith.constant dense<0.000000e+00> : vector<4000x1xf32>
    %dot_general3A_38 = tpu.matmul %logistic3A_33, %get3A_36, %dot_general3A_37 {dimension_numbers = #tpu.dot_dimension_numbers<[1], [0], [0], [1], [0, 0, 1, 1], [], []>, transpose_lhs_hint = false} : vector<4000x128xf32>, vector<128x1xf32>, vector<4000x1xf32> -> vector<4000x1xf32>
    %exp3A = math.exp %dot_general3A_38 : vector<4000x1xf32>
    %mul3A = vector.broadcast %exp3A : vector<4000x1xf32> to vector<4000x128xf32>
    %mul3A_39 = arith.mulf %get3A_3, %mul3A : vector<4000x128xf32>
    %broadcast_in_dim3A_40 = arith.constant 0.000000e+00 : f32
    %broadcast_in_dim3A_41 = vector.broadcast %broadcast_in_dim3A_40 : f32 to vector<4000x127xf32>
    %concatenate3A = tpu.concatenate %mul3A_39, %exp3A, %broadcast_in_dim3A_41 in 1 : vector<4000x128xf32>, vector<4000x1xf32>, vector<4000x127xf32> -> vector<4000x256xf32>
    %convert_element_type3A_42 = arith.truncf %concatenate3A : vector<4000x256xf32> to vector<4000x256xbf16>
    %get3A_43 = arith.constant 0 : index
    %get3A_44 = arith.constant 0 : index
    %get3A_45 = vector.load %arg7[%get3A_43, %get3A_44] : memref<1024x256xf32, #tpu.memory_space<vmem>>, vector<1024x256xf32>
    %dot_general3A_46 = arith.constant dense<0.000000e+00> : vector<1024x256xf32>
    %dot_general3A_47 = tpu.matmul %convert_element_type3A_22, %convert_element_type3A_42, %dot_general3A_46 {dimension_numbers = #tpu.dot_dimension_numbers<[0], [0], [1], [1], [0, 1, 1, 1], [], []>, transpose_lhs_hint = false} : vector<4000x1024xbf16>, vector<4000x256xbf16>, vector<1024x256xf32> -> vector<1024x256xf32>
    %add3A_48 = arith.addf %get3A_45, %dot_general3A_47 : vector<1024x256xf32>
    %swap3A = arith.constant 0 : index
    %swap3A_49 = arith.constant 0 : index
    %swap3A_50 = vector.load %arg7[%swap3A, %swap3A_49] : memref<1024x256xf32, #tpu.memory_space<vmem>>, vector<1024x256xf32>
    tpu.vector_store %arg7[%swap3A, %swap3A_49], %add3A_48 {strides = array<i32>} : memref<1024x256xf32, #tpu.memory_space<vmem>>, vector<1024x256xf32>,
    %eq3A_51 = arith.constant 24 : i32
    %eq3A_52 = arith.cmpi eq, %arg0, %eq3A_51 : i32
    %convert_element_type3A_53 = arith.extui %eq3A_52 : i1 to i32
    %cond3A_54 = arith.constant 0 : i32
    %cond3A_55 = arith.cmpi ne, %convert_element_type3A_53, %cond3A_54 : i32
    scf.if %cond3A_55 {
      %get3A_56 = arith.constant 0 : index
      %get3A_57 = arith.constant 0 : index
      %get3A_58 = vector.load %arg7[%get3A_56, %get3A_57] : memref<1024x256xf32, #tpu.memory_space<vmem>>, vector<1024x256xf32>
      %slice3A = vector.extract_strided_slice %get3A_58 {offsets = [0, 128], sizes = [1024, 1], strides = [1, 1]} : vector<1024x256xf32> to vector<1024x1xf32>
      %get3A_59 = arith.constant 1 : index
      %get3A_60 = arith.constant 0 : index
      %get3A_61 = vector.load %arg5[%get3A_59, %get3A_60] : memref<8x128xf32, #tpu.memory_space<vmem>>, vector<1x128xf32>
      %get3A_62 = arith.constant 2 : index
      %get3A_63 = arith.constant 0 : index
      %get3A_64 = vector.load %arg5[%get3A_62, %get3A_63] : memref<8x128xf32, #tpu.memory_space<vmem>>, vector<1x128xf32>
      %gt3A = arith.constant 0.000000e+00 : f32
      %gt3A_65 = vector.broadcast %gt3A : f32 to vector<1024x1xf32>
      %gt3A_66 = arith.cmpf ogt, %slice3A, %gt3A_65 : vector<1024x1xf32>
      %jit3A = arith.constant 1.000000e+00 : f32
      %broadcast_in_dim3A_67 = vector.broadcast %jit3A : f32 to vector<1024x1xf32>
      %select_n3A = arith.select %gt3A_66, %slice3A, %broadcast_in_dim3A_67 : vector<1024x1xi1>, vector<1024x1xf32>
      %gt3A_68 = arith.constant 0.000000e+00 : f32
      %gt3A_69 = vector.broadcast %gt3A_68 : f32 to vector<1024x1xf32>
      %gt3A_70 = arith.cmpf ogt, %slice3A, %gt3A_69 : vector<1024x1xf32>
      %slice3A_71 = vector.extract_strided_slice %get3A_58 {offsets = [0, 0], sizes = [1024, 128], strides = [1, 1]} : vector<1024x256xf32> to vector<1024x128xf32>
      %div3A = vector.broadcast %select_n3A : vector<1024x1xf32> to vector<1024x128xf32>
      %div3A_72 = arith.divf %slice3A_71, %div3A : vector<1024x128xf32>
      %mul3A_73 = vector.broadcast %get3A_61 : vector<1x128xf32> to vector<1024x128xf32>
      %mul3A_74 = arith.mulf %div3A_72, %mul3A_73 : vector<1024x128xf32>
      %add3A_75 = vector.broadcast %get3A_64 : vector<1x128xf32> to vector<1024x128xf32>
      %add3A_76 = arith.addf %mul3A_74, %add3A_75 : vector<1024x128xf32>
      %jit3A_77 = arith.constant 0.000000e+00 : f32
      %broadcast_in_dim3A_78 = vector.shape_cast %gt3A_70 : vector<1024x1xi1> to vector<1024x1xi1>
      %broadcast_in_dim3A_79 = vector.broadcast %broadcast_in_dim3A_78 : vector<1024x1xi1> to vector<1024x128xi1>
      %broadcast_in_dim3A_80 = vector.broadcast %jit3A_77 : f32 to vector<1024x128xf32>
      %select_n3A_81 = arith.select %broadcast_in_dim3A_79, %add3A_76, %broadcast_in_dim3A_80 : vector<1024x128xi1>, vector<1024x128xf32>
      %slice3A_82 = vector.extract_strided_slice %get3A_58 {offsets = [0, 128], sizes = [1024, 128], strides = [1, 1]} : vector<1024x256xf32> to vector<1024x128xf32>
      %concatenate3A_83 = tpu.concatenate %select_n3A_81, %slice3A_82 in 1 : vector<1024x128xf32>, vector<1024x128xf32> -> vector<1024x256xf32>
      %swap3A_84 = arith.constant 0 : index
      %swap3A_85 = arith.constant 0 : index
      %swap3A_86 = vector.load %arg7[%swap3A_84, %swap3A_85] : memref<1024x256xf32, #tpu.memory_space<vmem>>, vector<1024x256xf32>
      tpu.vector_store %arg7[%swap3A_84, %swap3A_85], %concatenate3A_83 {strides = array<i32>} : memref<1024x256xf32, #tpu.memory_space<vmem>>, vector<1024x256xf32>,
    } else {
    }
    return
  }
  func.func @transform_0(%arg0: i32) -> (i32, i32) {
    %c0_i32 = arith.constant 0 : i32
    %c0_i32_0 = arith.constant 0 : i32
    return %arg0, %c0_i32 : i32, i32
  }
  func.func @transform_1(%arg0: i32) -> (i32, i32, i32) {
    %c0_i32 = arith.constant 0 : i32
    %c0_i32_0 = arith.constant 0 : i32
    %c0_i32_1 = arith.constant 0 : i32
    return %arg0, %c0_i32, %c0_i32_0 : i32, i32, i32
  }
  func.func @transform_2(%arg0: i32) -> (i32, i32) {
    %c0_i32 = arith.constant 0 : i32
    %c0_i32_0 = arith.constant 0 : i32
    %c0_i32_1 = arith.constant 0 : i32
    return %c0_i32, %c0_i32_0 : i32, i32
  }
  func.func @transform_3(%arg0: i32) -> (i32, i32) {
    %c0_i32 = arith.constant 0 : i32
    %c0_i32_0 = arith.constant 0 : i32
    %c0_i32_1 = arith.constant 0 : i32
    return %c0_i32, %c0_i32_0 : i32, i32
  }
  func.func @transform_4(%arg0: i32) -> (i32, i32) {
    %c0_i32 = arith.constant 0 : i32
    %c0_i32_0 = arith.constant 0 : i32
    %c0_i32_1 = arith.constant 0 : i32
    return %c0_i32, %c0_i32_0 : i32, i32
  }
  func.func @transform_5(%arg0: i32) -> (i32, i32) {
    %c0_i32 = arith.constant 0 : i32
    %c0_i32_0 = arith.constant 0 : i32
    %c0_i32_1 = arith.constant 0 : i32
    return %c0_i32, %c0_i32_0 : i32, i32
  }
  func.func @transform_6(%arg0: i32) -> (i32, i32) {
    %c0_i32 = arith.constant 0 : i32
    %c0_i32_0 = arith.constant 0 : i32
    %c0_i32_1 = arith.constant 0 : i32
    return %c0_i32, %c0_i32_0 : i32, i32
  }
}

module attributes {stable_mosaic.version = 14 : i64} {
  func.func @_prep_kernel(%arg0: memref<8x128xf32, #tpu.memory_space<vmem>>, %arg1: memref<1024x128xf32, #tpu.memory_space<vmem>>, %arg2: memref<1024x128xf32, #tpu.memory_space<vmem>>, %arg3: memref<128x128xf32, #tpu.memory_space<vmem>>, %arg4: memref<128x128xf32, #tpu.memory_space<vmem>>, %arg5: memref<128x128xf32, #tpu.memory_space<vmem>>, %arg6: memref<1x128xf32, #tpu.memory_space<vmem>>, %arg7: memref<1x128xf32, #tpu.memory_space<vmem>>, %arg8: memref<1x128xf32, #tpu.memory_space<vmem>>, %arg9: memref<1x128xf32, #tpu.memory_space<vmem>>, %arg10: memref<1x128xf32, #tpu.memory_space<vmem>>, %arg11: memref<1024x128xbf16, #tpu.memory_space<vmem>>, %arg12: memref<128x128xbf16, #tpu.memory_space<vmem>>, %arg13: memref<8x128xf32, #tpu.memory_space<vmem>>) attributes {dimension_semantics = [], scalar_prefetch = 0 : i64, scratch_operands = 0 : i64, tpu.core_type = #tpu.core_type<tc>} {
    %get3A = arith.constant 0 : index
    %get3A_0 = arith.constant 0 : index
    %get3A_1 = vector.load %arg0[%get3A, %get3A_0] : memref<8x128xf32, #tpu.memory_space<vmem>>, vector<8x128xf32>
    %slice3A = vector.extract_strided_slice %get3A_1 {offsets = [0, 0], sizes = [1, 128], strides = [1, 1]} : vector<8x128xf32> to vector<1x128xf32>
    %div3A = arith.constant 1.000000e+05 : f32
    %div3A_2 = vector.broadcast %div3A : f32 to vector<1x128xf32>
    %div3A_3 = arith.divf %slice3A, %div3A_2 : vector<1x128xf32>
    %slice3A_4 = vector.extract_strided_slice %get3A_1 {offsets = [1, 0], sizes = [1, 128], strides = [1, 1]} : vector<8x128xf32> to vector<1x128xf32>
    %div3A_5 = arith.constant 1.000000e+05 : f32
    %div3A_6 = vector.broadcast %div3A_5 : f32 to vector<1x128xf32>
    %div3A_7 = arith.divf %slice3A_4, %div3A_6 : vector<1x128xf32>
    %mul3A = arith.mulf %div3A_3, %div3A_3 : vector<1x128xf32>
    %sub3A = arith.subf %div3A_7, %mul3A : vector<1x128xf32>
    %get3A_8 = arith.constant 0 : index
    %get3A_9 = arith.constant 0 : index
    %get3A_10 = vector.load %arg8[%get3A_8, %get3A_9] : memref<1x128xf32, #tpu.memory_space<vmem>>, vector<1x128xf32>
    %add3A = arith.constant 9.99999974E-6 : f32
    %add3A_11 = vector.broadcast %add3A : f32 to vector<1x128xf32>
    %add3A_12 = arith.addf %sub3A, %add3A_11 : vector<1x128xf32>
    %rsqrt3A = math.rsqrt %add3A_12 : vector<1x128xf32>
    %mul3A_13 = arith.mulf %get3A_10, %rsqrt3A : vector<1x128xf32>
    %get3A_14 = arith.constant 0 : index
    %get3A_15 = arith.constant 0 : index
    %get3A_16 = vector.load %arg9[%get3A_14, %get3A_15] : memref<1x128xf32, #tpu.memory_space<vmem>>, vector<1x128xf32>
    %mul3A_17 = arith.mulf %div3A_3, %mul3A_13 : vector<1x128xf32>
    %sub3A_18 = arith.subf %get3A_16, %mul3A_17 : vector<1x128xf32>
    %get3A_19 = arith.constant 0 : index
    %get3A_20 = arith.constant 0 : index
    %get3A_21 = vector.load %arg3[%get3A_19, %get3A_20] : memref<128x128xf32, #tpu.memory_space<vmem>>, vector<128x128xf32>
    %mul3A_22 = vector.broadcast %mul3A_13 : vector<1x128xf32> to vector<128x128xf32>
    %mul3A_23 = arith.mulf %get3A_21, %mul3A_22 : vector<128x128xf32>
    %dot_general3A = arith.constant dense<0.000000e+00> : vector<1x128xf32>
    %dot_general3A_24 = tpu.matmul %sub3A_18, %get3A_21, %dot_general3A {dimension_numbers = #tpu.dot_dimension_numbers<[1], [1], [0], [0], [0, 0, 1, 0], [], []>, transpose_lhs_hint = false} : vector<1x128xf32>, vector<128x128xf32>, vector<1x128xf32> -> vector<1x128xf32>
    %get3A_25 = arith.constant 0 : index
    %get3A_26 = arith.constant 0 : index
    %get3A_27 = vector.load %arg5[%get3A_25, %get3A_26] : memref<128x128xf32, #tpu.memory_space<vmem>>, vector<128x128xf32>
    %mul3A_28 = vector.broadcast %mul3A_13 : vector<1x128xf32> to vector<128x128xf32>
    %mul3A_29 = arith.mulf %get3A_27, %mul3A_28 : vector<128x128xf32>
    %get3A_30 = arith.constant 0 : index
    %get3A_31 = arith.constant 0 : index
    %get3A_32 = vector.load %arg7[%get3A_30, %get3A_31] : memref<1x128xf32, #tpu.memory_space<vmem>>, vector<1x128xf32>
    %get3A_33 = arith.constant 0 : index
    %get3A_34 = arith.constant 0 : index
    %get3A_35 = vector.load %arg5[%get3A_33, %get3A_34] : memref<128x128xf32, #tpu.memory_space<vmem>>, vector<128x128xf32>
    %dot_general3A_36 = arith.constant dense<0.000000e+00> : vector<1x128xf32>
    %dot_general3A_37 = tpu.matmul %sub3A_18, %get3A_35, %dot_general3A_36 {dimension_numbers = #tpu.dot_dimension_numbers<[1], [1], [0], [0], [0, 0, 1, 0], [], []>, transpose_lhs_hint = false} : vector<1x128xf32>, vector<128x128xf32>, vector<1x128xf32> -> vector<1x128xf32>
    %add3A_38 = arith.addf %get3A_32, %dot_general3A_37 : vector<1x128xf32>
    %get3A_39 = arith.constant 0 : index
    %get3A_40 = arith.constant 0 : index
    %get3A_41 = vector.load %arg1[%get3A_39, %get3A_40] : memref<1024x128xf32, #tpu.memory_space<vmem>>, vector<1024x128xf32>
    %dot_general3A_42 = arith.constant dense<0.000000e+00> : vector<1024x128xf32>
    %dot_general3A_43 = tpu.matmul %get3A_41, %mul3A_29, %dot_general3A_42 {dimension_numbers = #tpu.dot_dimension_numbers<[1], [1], [0], [0], [0, 0, 1, 0], [], []>, transpose_lhs_hint = false} : vector<1024x128xf32>, vector<128x128xf32>, vector<1024x128xf32> -> vector<1024x128xf32>
    %get3A_44 = arith.constant 0 : index
    %get3A_45 = arith.constant 0 : index
    %get3A_46 = vector.load %arg2[%get3A_44, %get3A_45] : memref<1024x128xf32, #tpu.memory_space<vmem>>, vector<1024x128xf32>
    %get3A_47 = arith.constant 0 : index
    %get3A_48 = arith.constant 0 : index
    %get3A_49 = vector.load %arg4[%get3A_47, %get3A_48] : memref<128x128xf32, #tpu.memory_space<vmem>>, vector<128x128xf32>
    %dot_general3A_50 = arith.constant dense<0.000000e+00> : vector<1024x128xf32>
    %dot_general3A_51 = tpu.matmul %get3A_46, %get3A_49, %dot_general3A_50 {dimension_numbers = #tpu.dot_dimension_numbers<[1], [1], [0], [0], [0, 0, 1, 0], [], []>, transpose_lhs_hint = false} : vector<1024x128xf32>, vector<128x128xf32>, vector<1024x128xf32> -> vector<1024x128xf32>
    %add3A_52 = arith.addf %dot_general3A_43, %dot_general3A_51 : vector<1024x128xf32>
    %get3A_53 = arith.constant 0 : index
    %get3A_54 = arith.constant 0 : index
    %get3A_55 = vector.load %arg6[%get3A_53, %get3A_54] : memref<1x128xf32, #tpu.memory_space<vmem>>, vector<1x128xf32>
    %add3A_56 = vector.broadcast %get3A_55 : vector<1x128xf32> to vector<1024x128xf32>
    %add3A_57 = arith.addf %add3A_52, %add3A_56 : vector<1024x128xf32>
    %add3A_58 = vector.broadcast %add3A_38 : vector<1x128xf32> to vector<1024x128xf32>
    %add3A_59 = arith.addf %add3A_57, %add3A_58 : vector<1024x128xf32>
    %convert_element_type3A = arith.truncf %add3A_59 : vector<1024x128xf32> to vector<1024x128xbf16>
    %swap3A = arith.constant 0 : index
    %swap3A_60 = arith.constant 0 : index
    %swap3A_61 = vector.load %arg11[%swap3A, %swap3A_60] : memref<1024x128xbf16, #tpu.memory_space<vmem>>, vector<1024x128xbf16>
    tpu.vector_store %arg11[%swap3A, %swap3A_60], %convert_element_type3A {strides = array<i32>} : memref<1024x128xbf16, #tpu.memory_space<vmem>>, vector<1024x128xbf16>,
    %convert_element_type3A_62 = arith.truncf %mul3A_23 : vector<128x128xf32> to vector<128x128xbf16>
    %swap3A_63 = arith.constant 0 : index
    %swap3A_64 = arith.constant 0 : index
    %swap3A_65 = vector.load %arg12[%swap3A_63, %swap3A_64] : memref<128x128xbf16, #tpu.memory_space<vmem>>, vector<128x128xbf16>
    tpu.vector_store %arg12[%swap3A_63, %swap3A_64], %convert_element_type3A_62 {strides = array<i32>} : memref<128x128xbf16, #tpu.memory_space<vmem>>, vector<128x128xbf16>,
    %get3A_66 = arith.constant 0 : index
    %get3A_67 = arith.constant 0 : index
    %get3A_68 = vector.load %arg10[%get3A_66, %get3A_67] : memref<1x128xf32, #tpu.memory_space<vmem>>, vector<1x128xf32>
    %broadcast_in_dim3A = arith.constant 0.000000e+00 : f32
    %broadcast_in_dim3A_69 = vector.broadcast %broadcast_in_dim3A : f32 to vector<4x128xf32>
    %concatenate3A = tpu.concatenate %dot_general3A_24, %mul3A_13, %sub3A_18, %get3A_68, %broadcast_in_dim3A_69 in 0 : vector<1x128xf32>, vector<1x128xf32>, vector<1x128xf32>, vector<1x128xf32>, vector<4x128xf32> -> vector<8x128xf32>
    %swap3A_70 = arith.constant 0 : index
    %swap3A_71 = arith.constant 0 : index
    %swap3A_72 = vector.load %arg13[%swap3A_70, %swap3A_71] : memref<8x128xf32, #tpu.memory_space<vmem>>, vector<8x128xf32>
    tpu.vector_store %arg13[%swap3A_70, %swap3A_71], %concatenate3A {strides = array<i32>} : memref<8x128xf32, #tpu.memory_space<vmem>>, vector<8x128xf32>,
    return
  }
}

</mosaic_0001>

<sc_bundles>
// kernel: kernel.6.cloned.1.call-start
scs
__scs_entry_jumppad:
0x0: {  	(pc) =	sbr.rel $0x88, $3  }
0x1: {  	(tag) =	ssettag $0x0;
	lr =	simm.s32 $0x1  }
0x2: {  	[smem:$0x3F95] =	sst lr;
	_ =	strace $0xD0000000  }
0x3: {  	_ = 	snop  }
0x4: {  	_ = 	snop  }
0x5: {  	_ = 	snop  }
0x6: {  	_ = 	snop  }
0x7: {  	_ = 	snop  }
__scs_overlays_trampoline_lowered:
0x8: {  	[smem:$0x3FA4] =	sst s0  }
0x9: {  	[smem:$0x3FA5] =	sst s1  }
0xa: {  	[smem:$0x3FA6] =	sst s2  }
0xb: {  	[smem:$0x3FA7] =	sst s3  }
0xc: {  	[smem:$0x3FA8] =	sst s4  }
0xd: {  	[smem:$0x3FA9] =	sst s5  }
0xe: {  	[smem:$0x3FAA] =	sst s6  }
0xf: {  	[smem:$0x3FAB] =	sst s7  }
0x10: {  	[smem:$0x3FAC] =	sst s8  }
0x11: {  	[smem:$0x3FAD] =	sst s9;
	s0 =	simm.s32 @!p0 $0x0  }
0x12: {  	s1 =	sld [smem:$0x3F93];
	s0 =	simm.s32 @p0 $0x1  }
0x13: {  	[smem:$0x3FAE] =	sst s0;
	s0 =	simm.s32 @!p1 $0x0  }
0x14: {  	s2 =	sld [smem:$0x3F92];
	s0 =	simm.s32 @p1 $0x1  }
0x15: {  	[smem:$0x3FAF] =	sst s0;
	s0 =	simm.s32 @!p2 $0x0  }
0x16: {  	s3 =	sld [smem:$0x3FDB];
	s0 =	simm.s32 @p2 $0x1  }
0x17: {  	s4 =	simm.s32 $0x1BF5;
	[smem:$0x3FB1] =	sst s0  }
0x18: {  	s0 =	sld [smem:$0x3F94];
	_ =	swait.ge [sflag:s4], $0x0  }
0x19: {  	s7 =	sld [smem:$0x3F95]  }
0x1a: {  	s8 =	sadd.s32 $0xFFFFE003, lr  }
0x1b: {  	s9 =	sadd.s32 $0xFFFFFEF7, lr;
	s5 =	simm.s32 $0xFFFFFFFF;
	p2 =	slt.u32 s8, $0xFFFFF086  }
0x1c: {  	p1 =	slt.u32 s9, $0xF7A;
	s5 =	simm.s32 @!p2 $0x0  }
0x1d: {  	s5 =	simm.s32 @p1 $0x1;
	p0 =	seq.s32 s7, s2  }
0x1e: {  	s7 =	smul.u32 @!p0 $0xF7A, s2;
	p2 =	seq.s32 @!p0 s5, $0x0  }
0x1f: {  	s9 =	smul.u32 $0xF7A, s1;
	s8 =	simm.s32 @!p0 $0x1BF5;
	p2 =	por !p2, p0  }
0x20: {  	[sflag:s8] =	ssyncset.s32 @!p0 $0xFFFFF086;
	s6 =	sadd.s32 @!p0 s3, s7;
	s7 =	simm.s32 @!p0 $0x108  }
0x21: {  	s3 =	sadd.s32 s3, s9;
	s6 =	sadd.s32 @!p0 $0x88, s6;
	s7 =	simm.s32 @p2 $0x1082  }
0x22: {  	[simem:s7], [sflag:s8] =	dma.local @!p0 [hbm:s6], $0xF7A  }
0x23: {  	s9 =	sor.u32 $0xD0000000, s2;
	s6 =	simm.s32 $0x108;
	_ =	swait.ge @!p0 [sflag:s8], $0x0  }
0x24: {  	s3 =	sadd.s32 $0x88, s3;
	s6 =	simm.s32 @!p1 $0x1082;
	[sflag:s4] =	ssyncset.s32 $0xFFFFF086  }
0x25: {  	[simem:s6], [sflag:s4] =	dma.local [hbm:s3], $0xF7A  }
0x26: {  	[smem:$0x3F95] =	sst s1;
	(tag) =	ssettag s2;
	_ =	strace s9  }
0x27: {  	s1 =	sld [smem:$0x3FA5]  }
0x28: {  	s2 =	sld [smem:$0x3FA6]  }
0x29: {  	s4 =	sld [smem:$0x3FA8]  }
0x2a: {  	p0 =	seq.s32 s5, $0x0;
	s5 =	sld [smem:$0x3FA9]  }
0x2b: {  	s6 =	sld [smem:$0x3FAA]  }
0x2c: {  	s7 =	sld [smem:$0x3FAB]  }
0x2d: {  	s3 =	simm.s32 $0x108;
	s8 =	sld [smem:$0x3FAC]  }
0x2e: {  	s3 =	simm.s32 @!p0 $0x1082;
	s9 =	sld [smem:$0x3FAD]  }
0x2f: {  	lr =	sadd.s32 s0, s3;
	s0 =	sld [smem:$0x3FA4]  }
0x30: {  	s3 =	sld [smem:$0x3FA7]  }
0x31: {  	[smem:$0x3FB0] =	sst s10  }
0x32: {  	s10 =	sld [smem:$0x3FAE];
	_ =	sdelay $0x3  }
0x33: {  	p0 =	seq.s32 s10, $0x1;
	s10 =	sld [smem:$0x3FB0];
	_ =	sdelay $0x3  }
0x34: {  	[smem:$0x3FB0] =	sst s10  }
0x35: {  	s10 =	sld [smem:$0x3FAF];
	_ =	sdelay $0x3  }
0x36: {  	p1 =	seq.s32 s10, $0x1;
	s10 =	sld [smem:$0x3FB0];
	_ =	sdelay $0x3  }
0x37: {  	[smem:$0x3FB0] =	sst s10  }
0x38: {  	s10 =	sld [smem:$0x3FB1]  }
0x39: {  	_ = 	snop;
	(pc) =	sbr.ind lr, $3  }
0x3a: {  	_ = 	snop  }
0x3b: {  	_ = 	snop  }
0x3c: {  	p2 =	seq.s32 s10, $0x1;
	s10 =	sld [smem:$0x3FB0]  }
0x3d: {  	_ =	shalt  }
0x3e: {  	_ =	shalt  }
0x3f: {  	_ =	shalt  }
0x40: {  	_ =	shalt  }
0x41: {  	_ =	shalt  }
0x42: {  	_ =	shalt  }
0x43: {  	_ =	shalt  }
0x44: {  	_ =	shalt  }
0x45: {  	_ =	shalt  }
0x46: {  	_ =	shalt  }
0x47: {  	_ =	shalt  }
0x48: {  	_ =	shalt  }
0x49: {  	_ =	shalt  }
0x4a: {  	_ =	shalt  }
0x4b: {  	_ =	shalt  }
0x4c: {  	_ =	shalt  }
0x4d: {  	_ =	shalt  }
0x4e: {  	_ =	shalt  }
0x4f: {  	_ =	shalt  }
0x50: {  	_ =	shalt  }
0x51: {  	_ =	shalt  }
0x52: {  	_ =	shalt  }
0x53: {  	_ =	shalt  }
0x54: {  	_ =	shalt  }
0x55: {  	_ =	shalt  }
0x56: {  	_ =	shalt  }
0x57: {  	_ =	shalt  }
0x58: {  	_ =	shalt  }
0x59: {  	_ =	shalt  }
0x5a: {  	_ =	shalt  }
0x5b: {  	_ =	shalt  }
0x5c: {  	_ =	shalt  }
0x5d: {  	_ =	shalt  }
0x5e: {  	_ =	shalt  }
0x5f: {  	_ =	shalt  }
0x60: {  	_ =	shalt  }
0x61: {  	_ =	shalt  }
0x62: {  	_ =	shalt  }
0x63: {  	_ =	shalt  }
0x64: {  	_ =	shalt  }
0x65: {  	_ =	shalt  }
0x66: {  	_ =	shalt  }
0x67: {  	_ =	shalt  }
0x68: {  	_ =	shalt  }
0x69: {  	_ =	shalt  }
0x6a: {  	_ =	shalt  }
0x6b: {  	_ =	shalt  }
0x6c: {  	_ =	shalt  }
0x6d: {  	_ =	shalt  }
0x6e: {  	_ =	shalt  }
0x6f: {  	_ =	shalt  }
0x70: {  	_ =	shalt  }
0x71: {  	_ =	shalt  }
0x72: {  	_ =	shalt  }
0x73: {  	_ =	shalt  }
0x74: {  	_ =	shalt  }
0x75: {  	_ =	shalt  }
0x76: {  	_ =	shalt  }
0x77: {  	_ =	shalt  }
0x78: {  	_ =	shalt  }
0x79: {  	_ =	shalt  }
0x7a: {  	_ =	shalt  }
0x7b: {  	_ =	shalt  }
0x7c: {  	_ =	shalt  }
0x7d: {  	_ =	shalt  }
0x7e: {  	_ =	shalt  }
0x7f: {  	_ =	shalt  }
0x80: {  	_ =	shalt  }
0x81: {  	_ =	shalt  }
0x82: {  	_ =	shalt  }
0x83: {  	_ =	shalt  }
0x84: {  	_ =	shalt  }
0x85: {  	_ =	shalt  }
0x86: {  	_ =	shalt  }
0x87: {  	_ =	shalt  }
.Lfunc_end0:
.L_simem_size_0:
called_computation_lowered:
.L_overlay_start_0:
0x88: {  	s2 =	sld [smem:$0x3FD9]  }
0x89: {  	s3 =	sld [smem:$0x3FFE];
	_ =	sdelay $0x1  }
0x8a: {  	s1 =	srdreg.scid  }
0x8b: {  	s0 =	sand.u32 $0x1, s1  }
0x8c: {  	s18 =	sshll.u32 s0, $0xA;
	s2 =	sadd.s32 s3, s2  }
0x8d: {  	s2 =	sadd.s32 s2, s18  }
0x8e: {  	[smem:$0x3FBC] =	sst s2  }
0x8f: {  	_ = 	snop  }
0x90: {  	s2 =	sld [smem:$0x3FC9]  }
0x91: {  	s19 =	sld [smem:$0x3FC7]  }
0x92: {  	s4 =	sld [smem:$0x3FD0];
	(tm) =	ssettm $0x1  }
0x93: {  	s5 =	sld [smem:$0x3FFB];
	_ =	sdelay $0x3  }
0x94: {  	_ =	strace s5  }
0x95: {  	s5 =	sld [smem:$0x3FFC];
	_ =	sdelay $0x3  }
0x96: {  	_ =	strace s5  }
0x97: {  	s5 =	sld [smem:$0x3FFD];
	_ =	sdelay $0x3  }
0x98: {  	_ =	strace s5  }
0x99: {  	_ =	strace $0x8FFFFFFF  }
0x9a: {  	s20 =	sld [smem:$0x3FDB];
	_ =	sdelay $0x1  }
0x9b: {  	s6 =	simm.s32 $_scs_section_size  }
0x9c: {  	s7 =	simm.s32 $_size__tile_overlayer_lowered;
	s8 =	simm.s32 $_tile_overlayer_lowered  }
0x9d: {  	s23 =	simm.s32 $0x1BFF;
	s22 =	sshll.u32 s8, $0x1;
	s5 =	sadd.s32 s6, s20  }
0x9e: {  	s9 =	simm.s32 $0x0;
	s21 =	sshll.u32 s7, $0x1;
	s7 =	sadd.s32 s22, s5  }
0x9f: {  	[timem:s9], [sflag:s23] =	dma.local [hbm:s7], s21  }
0xa0: {  	_ =	swait.ge [sflag:s23], s21  }
0xa1: {  	s6 =	ssub.s32 $0x0, s21;
	[sflag:s23] =	ssyncset.done $0x0  }
0xa2: {  	[sflag:s23] =	ssyncadd.s32 s6;
	_ =	sdelay $0x1  }
0xa3: {  	s24 =	simm.s32 $0x1B8B  }
0xa4: {  	_ =	swait.ge [sflag:s24], $0x1  }
0xa5: {  	[sflag:s24] =	ssyncset.done $0x0  }
0xa6: {  	s25 =	simm.s32 $0x1B8E;
	[sflag:s24] =	ssyncadd.s32 $0xFFFFFFFF  }
0xa7: {  	s26 =	simm.s32 $execute0_lowered;
	[smem:$0x3FD2] =	sst s25  }
0xa8: {  	s6 =	sshll.u32 s26, $0x1;
	_ =	strace $0x80000046;
	[dreg:$0x1] =	wrdreg $0xFFFFFFFF  }
0xa9: {  	s28 =	simm.s32 $_size_execute0_lowered;
	s5 =	sadd.s32 s5, s6;
	[dreg:$0x0] =	wrdreg $0x0  }
0xaa: {  	s6 =	sshll.u32 s28, $0x1;
	[dreg:$0x2] =	wrdreg s5  }
0xab: {  	[dreg:$0x3] =	wrdreg s6  }
0xac: {  	[dreg:$0x4] =	wrdreg $0xC0  }
0xad: {  	_ =	task [dreg:s9], $0x5FFFF  }
0xae: {  	[dreg:$0x1] =	wrdreg $0xFFFFFFFF  }
0xaf: {  	[dreg:$0x0] =	wrdreg $0x60  }
0xb0: {  	[dreg:$0x2] =	wrdreg s2  }
0xb1: {  	[dreg:$0x3] =	wrdreg s19  }
0xb2: {  	[dreg:$0x4] =	wrdreg s4  }
0xb3: {  	[dreg:$0x5] =	wrdreg $0x9  }
0xb4: {  	_ =	task.clear_ibuf [dreg:s9], $0x6FFFF;
	_ =	strace $0x90000046  }
0xb5: {  	s29 =	simm.s32 $0x9;
	_ =	strace $0x80000048  }
0xb6: {  	_ =	swait.ge [sflag:s29], $0x1  }
0xb7: {  	[sflag:s29] =	ssyncadd.s32 $0xFFFFFFFF  }
0xb8: {  	_ =	strace $0x90000048  }
0xb9: {  	_ =	sfence  }
0xba: {  	s30 =	sld [smem:$0x0];
	_ =	sdelay $0x2  }
0xbb: {  	s31 =	sshll.u32 s1, $0xD;
	s1 =	sshrl.u32 s1, $0x2  }
0xbc: {  	s3 =	sand.u32 $0x4000, s31;
	s1 =	sadd.s32 s1, s30  }
0xbd: {  	s0 =	sor.u32 s3, s0;
	s1 =	sshll.u32 s1, $0x11  }
0xbe: {  	s0 =	sor.u32 s1, s0  }
0xbf: {  	s0 =	sadd.s32 $0x8F2B, s0  }
0xc0: {  	[sflag:s0] =	ssyncadd.remote.s32 $0x1  }
0xc1: {  	_ =	sfence.sel $0xFFFF  }
0xc2: {  	[dreg:$0x0] =	wrdreg $0xFFFFFFFF;
	(pc) =	sbr.abs _section_cstart, $3  }
0xc3: {  	[dreg:$0x1] =	wrdreg $0xFFFFFFFF  }
0xc4: {  	_ =	task.clear_ibuf [dreg:s9], $0x2FFFF;
	_ =	strace $0x9FFFFFFF  }
0xc5: {  	(tm) =	ssettm $0x7FFFFFFF  }
tec
execute0_lowered:
.L_overlay_start_1:
0x0: {  	(tag) =	ssettag $0x1  }
0x1: {  	s1 =	rddreg [dreg:$0x0]  }
0x2: {  	s2 =	srdreg.scid;
	s4 =	rddreg [dreg:$0x1]  }
0x3: {  	s0 =	stileid.u32;
	s9 =	rddreg [dreg:$0x2];
	s6 =	sand.u32 $0x1, s2  }
0x4: {  	s3 =	simm.s32 $0x0;
	s5 =	sshll.u32 s0, $0x6;
	s7 =	sshll.u32 s6, $0x5  }
0x5: {  	[smem:$0x7FF] =	sst s3;
	s10 =	sor.u32 s7, s5  }
0x6: {  	s2 =	rddreg [dreg:$0x3];
	_ =	strace $0x80000047;
	s5 =	sshrl.u32 s10, $0x3  }
0x7: {  	s11 =	ssub.s32 $0x2, s6;
	s5 =	sadd.s32 s4, s5;
	s4 =	simm.s32 $0x2  }
0x8: {  	[tilespmem:s3], [sflag:$0x2] =	stream.linear.gather [hbm4b:s5+s3], $0x20, $0x38;
	[tilespmem:$0x1080] =	vst v63  }
0x9: {  	s8 =	simm.s32 $0x1;
	s12 =	sshrl.u32 s11, $0x1;
	_ =	swait.ge [sflag:s4], $0x20  }
0xa: {  	s6 =	simm.s32 $0x20;
	s11 =	ssub.s32 s11, s12;
	[sflag:s4] =	ssyncset.done $0x0  }
0xb: {  	s7 =	simm.s32 $0x80;
	s31 =	smax.u32 s11, $0x1;
	[sflag:s4] =	ssyncadd.s32 $0xFFFFFFE0  }
0xc: {  	[tilespmem:s7], [sflag:$0x1] =	stream.indirect.gather [hbm4b:s1+s6], $0x80, s3, s6, $0xb8;
	[tilespmem:$0x1080] =	vst v63  }
0xd: {  	p0 =	sne.s32 s31, $0x1;
	_ =	swait.ge [sflag:s8], $0x1000  }
.Ltmp0:
0xe: {  	s10 =	sshll.u32 s10, $0x4;
	[sflag:s8] =	ssyncset.done $0x0;
	(pc) =	sbr.rel @!p0 .LBB2_2-.Ltmp0, $4  }
0xf: {  	s9 =	sadd.s32 s9, s10;
	[sflag:s8] =	ssyncadd.s32 $0xFFFFF000  }
0x10: {  	[hbm4b:s9+s3] =	stream.linear.scatter [tilespmem:s7], [sflag:$0x2], $0x1000, $0x38;
	[tilespmem:$0x1080] =	vst v63  }
0x11: {  	_ =	swait.ge [sflag:s4], $0x1000  }
0x12: {  	s10 =	sadd.s32 $0xFFFFFFFF, s31;
	[sflag:s4] =	ssyncset.done $0x0  }
.LBB2_1:
0x13: {  	p0 =	sne.s32 s10, $0x1;
	s10 =	sadd.s32 $0xFFFFFFFF, s10;
	[sflag:s4] =	ssyncadd.s32 $0xFFFFF000  }
0x14: {  	[tilespmem:s3], [sflag:$0x2] =	stream.linear.gather [hbm4b:s5+s3], $0x20, $0x38;
	[tilespmem:$0x1080] =	vst v63  }
0x15: {  	_ =	swait.ge [sflag:s4], $0x20  }
0x16: {  	[sflag:s4] =	ssyncset.done $0x0  }
0x17: {  	[sflag:s4] =	ssyncadd.s32 $0xFFFFFFE0  }
0x18: {  	[tilespmem:s7], [sflag:$0x1] =	stream.indirect.gather [hbm4b:s1+s6], $0x80, s3, s6, $0xb8;
	[tilespmem:$0x1080] =	vst v63  }
0x19: {  	_ =	swait.ge [sflag:s8], $0x1000  }
.Ltmp1:
0x1a: {  	[sflag:s8] =	ssyncset.done $0x0;
	(pc) =	sbr.rel @p0 .LBB2_1-.Ltmp1, $4  }
0x1b: {  	[sflag:s8] =	ssyncadd.s32 $0xFFFFF000  }
0x1c: {  	[hbm4b:s9+s3] =	stream.linear.scatter [tilespmem:s7], [sflag:$0x2], $0x1000, $0x38;
	[tilespmem:$0x1080] =	vst v63  }
0x1d: {  	_ =	swait.ge [sflag:s4], $0x1000  }
0x1e: {  	[sflag:s4] =	ssyncset.done $0x0  }
.LBB2_2:
0x1f: {  	[sflag:s4] =	ssyncadd.s32 $0xFFFFF000  }
0x20: {  	_ =	sfence.sel $0x180000  }
0x21: {  	[bflag:$0x0] =	sbarrier.arrive $0xFFFF  }
0x22: {  	p0 =	sne.s32 s0, $0x0;
	_ =	strace $0x90000047  }
0x23: {  	s0 =	sadd.s32 @!p0 $0x100000, s2;
	[bflag:$0x2] =	sbarrier.arrive $0xFFFF  }
0x24: {  	[sflag:s0] =	ssyncadd.tile.s32 @!p0 $0x1;
	_ =	shalt  }
.Lfunc_end2:
_tile_overlayer_lowered:
.L_overlay_start_2:
0x25: {  	(tag) =	ssettag $0x2  }
0x26: {  	s0 =	rddreg [dreg:$0x0];
	s2 =	stileid.u32  }
0x27: {  	s1 =	rddreg [dreg:$0x1];
	p0 =	sne.s32 s2, $0x0  }
0x28: {  	s3 =	rddreg [dreg:$0x2];
	[bflag:$0x3] =	sbarrier.arrive $0xFFFF;
	s2 =	simm.s32 @!p0 $0x1C02  }
0x29: {  	[timem:s3], [sflag:s2] =	dma.local @!p0 [hbm:s0], s1  }
0x2a: {  	s0 =	simm.s32 @!p0 $0x2  }
0x2b: {  	_ =	swait.ge @!p0 [sflag:s0], s1  }
0x2c: {  	s1 =	ssub.s32 @!p0 $0x0, s1;
	[sflag:s0] =	ssyncset.done @!p0 $0x0  }
0x2d: {  	[sflag:s0] =	ssyncadd.s32 @!p0 s1  }
0x2e: {  	[bflag:$0x3] =	sbarrier.arrive $0xFFFF  }
0x2f: {  	_ =	shalt  }

</sc_bundles>
